<compile_context>
chip_gen: v7x
topology: tpu7x:2x2x1
jax: 0.10.2.dev20260603
libtpu: 0.0.44.dev20260713+nightly
codegen_flags: <defaults>
</compile_context>

<pallas_src>
import functools

import jax
import jax.numpy as jnp
from jax import lax
from jax.experimental import pallas as pl
from jax.experimental.pallas import tpu as pltpu
from jax.experimental.pallas import tpu_sc as plsc

_VOCAB = 1000000
_D = 64
_MAX_LEN = 200
_BATCH = 4096
_B = _BATCH * _MAX_LEN

_NC = 2
_NS = 16
_NW = _NC * _NS
_PER_W = _B // _NW
_C = 200
_NCHUNK = _PER_W // _C
_L = 16
_NBUF = 3


def _positional() -> jax.Array:
    position = jnp.arange(0, _MAX_LEN, dtype=jnp.float32).reshape(-1, 1)
    div = jnp.exp(
        jnp.arange(0, _D, 2, dtype=jnp.float32) / _D
        * -jnp.log(jnp.float32(10000.0))
    )
    p = jnp.zeros((_MAX_LEN, _D), dtype=jnp.float32)
    p = p.at[:, 0::2].set(jnp.sin(position * div))
    p = p.at[:, 1::2].set(jnp.cos(position * div))
    return p


_mesh = plsc.VectorSubcoreMesh(core_axis_name="c", subcore_axis_name="s")


@functools.partial(
    pl.kernel,
    mesh=_mesh,
    out_type=jax.ShapeDtypeStruct((_B, _D), jnp.float32),
    scratch_types=[
        pltpu.VMEM((_PER_W,), jnp.int32),
        pltpu.VMEM((_NBUF, _C, _D), jnp.float32),
        pltpu.SemaphoreType.DMA((_NBUF,)),
        pltpu.SemaphoreType.DMA((_NBUF,)),
    ],
    compiler_params=pltpu.CompilerParams(use_tc_tiling_on_sc=False),
)
def _embed(x_hbm, table_hbm, out_hbm, idx_all, rows, gsem, ssem):
    wid = lax.axis_index("s") * _NC + lax.axis_index("c")
    base = wid * _PER_W
    pltpu.sync_copy(x_hbm.at[pl.ds(base, _PER_W)], idx_all)

    def gather(k, b):
        pltpu.async_copy(
            table_hbm.at[idx_all.at[pl.ds(k * _C, _C)]], rows.at[b],
            gsem.at[b])

    def gather_wait(k, b):
        pltpu.make_async_copy(
            table_hbm.at[idx_all.at[pl.ds(k * _C, _C)]], rows.at[b],
            gsem.at[b]).wait()

    def store(k, b):
        pltpu.async_copy(
            rows.at[b], out_hbm.at[pl.ds(base + k * _C, _C)], ssem.at[b])

    def store_wait(k, b):
        pltpu.make_async_copy(
            rows.at[b], out_hbm.at[pl.ds(base + k * _C, _C)],
            ssem.at[b]).wait()

    gather(0, 0)

    def chunk_body(k, carry):
        b = lax.rem(k, _NBUF)
        nb = lax.rem(k + 1, _NBUF)

        @pl.when(k + 1 < _NCHUNK)
        def _fire_next():
            @pl.when(k >= _NBUF - 1)
            def _drain_old_store():
                store_wait(k + 1 - _NBUF, nb)

            gather(k + 1, nb)

        gather_wait(k, b)
        store(k, b)
        return carry

    lax.fori_loop(0, _NCHUNK, chunk_body, 0)
    store_wait(_NCHUNK - 2, lax.rem(_NCHUNK - 2, _NBUF))
    store_wait(_NCHUNK - 1, lax.rem(_NCHUNK - 1, _NBUF))


def _add_body(x_ref, p_ref, o_ref):
    o_ref[...] = x_ref[...] + p_ref[...][None]


_ROWS_PER_BLK = 16


def _add_p(emb, p):
    return pl.pallas_call(
        _add_body,
        grid=(_BATCH // _ROWS_PER_BLK,),
        in_specs=[
            pl.BlockSpec((_ROWS_PER_BLK, _MAX_LEN, _D), lambda i: (i, 0, 0)),
            pl.BlockSpec((_MAX_LEN, _D), lambda i: (0, 0)),
        ],
        out_specs=pl.BlockSpec((_ROWS_PER_BLK, _MAX_LEN, _D),
                               lambda i: (i, 0, 0)),
        out_shape=jax.ShapeDtypeStruct((_BATCH, _MAX_LEN, _D), jnp.float32),
    )(emb, p)


def kernel(X, table):
    p = _positional()
    xf = X.reshape(-1)
    emb = _embed(xf, table)
    return _add_p(emb.reshape(_BATCH, _MAX_LEN, _D), p)

# --- scband reference (transcript-rebuilt; emitter-appended) ---
"""Pipeline reference for scband-position-embedding-53386443489420 (READ-ONLY COPY).

The authoritative reference and input builder live on the scoring server;
editing this copy changes nothing except your own understanding.
"""

import jax, jax.numpy as jnp
import numpy as np

VOCAB = 1000000
NUM_HIDDENS = 64
MAX_LEN = 200
BATCH = 4096

def _get_position():
    position = jnp.arange(0, MAX_LEN, dtype=jnp.float32).reshape(-1, 1)
    div = jnp.exp(jnp.arange(0, NUM_HIDDENS, 2, dtype=jnp.float32) / NUM_HIDDENS * -jnp.log(jnp.float32(10000.0)))
    P = jnp.zeros((MAX_LEN, NUM_HIDDENS), dtype=jnp.float32)
    P = P.at[:, 0::2].set(jnp.sin(position * div))
    P = P.at[:, 1::2].set(jnp.cos(position * div))
    return P[None, :, :]

def setup_inputs(seed: int = 0) -> dict:
    key = jax.random.key(seed)
    k1, k2 = jax.random.split(key)
    X = jax.random.randint(k1, (BATCH, MAX_LEN), 0, VOCAB, dtype=jnp.int64 if jax.config.read('jax_enable_x64') else jnp.int32)
    table = jax.random.normal(k2, (VOCAB, NUM_HIDDENS), dtype=jnp.float32)
    return {"X": X, "table": table}

def reference(X, table):
    P = _get_position()
    emb = jnp.take(table, X, axis=0)
    return emb + jnp.broadcast_to(P, (X.shape[0], MAX_LEN, NUM_HIDDENS))

if __name__ == "__main__":
    import jax
    _d = setup_inputs()
    print(jax.jit(kernel)(*tuple(_d.values())))

</pallas_src>

<mosaic_0001>
#map = affine_map<(d0, d1) -> (0)>
#map1 = affine_map<(d0, d1) -> (0, 0)>
module attributes {stable_mosaic.version = 14 : i64} {
  func.func @_embed(%arg0: i32, %arg1: i32, %arg2: memref<819200xi32, #tpu.memory_space<hbm>>, %arg3: memref<1000000x64xf32, #tpu.memory_space<hbm>>, %arg4: memref<819200x64xf32, #tpu.memory_space<hbm>>, %arg5: memref<25600xi32, #tpu.memory_space<vmem>>, %arg6: memref<3x200x64xf32, #tpu.memory_space<vmem>>, %arg7: memref<3x!tpu.dma_semaphore, #tpu.memory_space<semaphore_mem>>, %arg8: memref<3x!tpu.dma_semaphore, #tpu.memory_space<semaphore_mem>>) attributes {dimension_semantics = [#tpu.dimension_semantics<core_parallel>, #tpu.dimension_semantics<subcore_parallel>], iteration_bounds = array<i64: 2, 16>, scalar_prefetch = 0 : i64, scratch_operands = 4 : i64, tpu.core_type = #tpu.core_type<sc_vector_subcore>, window_params = [{transform_indices = #map}, {transform_indices = #map1}, {transform_indices = #map1}]} {
    %mul3A = arith.constant 2 : i32
    %mul3A_0 = arith.muli %arg1, %mul3A : i32
    %add3A = arith.addi %mul3A_0, %arg0 : i32
    %mul3A_1 = arith.constant 25600 : i32
    %mul3A_2 = arith.muli %add3A, %mul3A_1 : i32
    "tpu.region"() ({
      %run_scoped3A = tpu.sem_alloc : memref<!tpu.dma_semaphore, #tpu.memory_space<semaphore_mem>>
      %dma_start3A_56 = tpu.memref_slice %arg2[%mul3A_2] : memref<819200xi32, #tpu.memory_space<hbm>> -> memref<25600xi32, #tpu.memory_space<hbm>>
      %dma_start3A_57 = tpu.memref_slice %arg2[%mul3A_2] : memref<819200xi32, #tpu.memory_space<hbm>> -> memref<25600xi32, #tpu.memory_space<hbm>>
      tpu.enqueue_dma source(%dma_start3A_57 : memref<25600xi32, #tpu.memory_space<hbm>>) target(%arg5 : memref<25600xi32, #tpu.memory_space<vmem>>) target_semaphore(%run_scoped3A : memref<!tpu.dma_semaphore, #tpu.memory_space<semaphore_mem>>)
      %dma_wait3A_58 = tpu.memref_slice %arg2[%mul3A_2] : memref<819200xi32, #tpu.memory_space<hbm>> -> memref<25600xi32, #tpu.memory_space<hbm>>
      %dma_wait3A_59 = tpu.memref_slice %arg2[%mul3A_2] : memref<819200xi32, #tpu.memory_space<hbm>> -> memref<25600xi32, #tpu.memory_space<hbm>>
      tpu.wait_dma2 semaphore(%run_scoped3A : memref<!tpu.dma_semaphore, #tpu.memory_space<semaphore_mem>>) src(%dma_wait3A_59 : memref<25600xi32, #tpu.memory_space<hbm>>) dst(%arg5 : memref<25600xi32, #tpu.memory_space<vmem>>)
      tpu.yield
    }) : () -> ()
    %dma_start3A = arith.constant 0 : i32
    %dma_start3A_3 = arith.constant 0 : i32
    %dma_start3A_4 = arith.constant 0 : i32
    %dma_start3A_5 = arith.constant 0 : i32
    %dma_start3A_6 = tpu.memref_slice %arg6[%dma_start3A, %dma_start3A_4, %dma_start3A_5] : memref<3x200x64xf32, #tpu.memory_space<vmem>> -> memref<1x200x64xf32, #tpu.memory_space<vmem>>
    %dma_start3A_7 = tpu.memref_squeeze %dma_start3A_6 : memref<1x200x64xf32, #tpu.memory_space<vmem>> -> memref<200x64xf32, #tpu.memory_space<vmem>>
    %dma_start3A_8 = arith.constant 0 : i32
    %dma_start3A_9 = tpu.memref_slice %arg5[%dma_start3A_8] : memref<25600xi32, #tpu.memory_space<vmem>> -> memref<200xi32, #tpu.memory_space<vmem>>
    %dma_start3A_10 = arith.constant 0 : i32
    %dma_start3A_11 = arith.constant 0 : i32
    %dma_start3A_12 = tpu.memref_slice %arg3[%dma_start3A_10, %dma_start3A_11] : memref<1000000x64xf32, #tpu.memory_space<hbm>> -> memref<1000000x64xf32, #tpu.memory_space<hbm>>
    %dma_start3A_13 = tpu.memref_slice %arg7[%dma_start3A_3] : memref<3x!tpu.dma_semaphore, #tpu.memory_space<semaphore_mem>> -> memref<1x!tpu.dma_semaphore, #tpu.memory_space<semaphore_mem>>
    %dma_start3A_14 = tpu.memref_squeeze %dma_start3A_13 : memref<1x!tpu.dma_semaphore, #tpu.memory_space<semaphore_mem>> -> memref<!tpu.dma_semaphore, #tpu.memory_space<semaphore_mem>>
    tpu.enqueue_indirect_dma source(%dma_start3A_12 : memref<1000000x64xf32, #tpu.memory_space<hbm>>) target(%dma_start3A_7 : memref<200x64xf32, #tpu.memory_space<vmem>>) offsets(%dma_start3A_9 : memref<200xi32, #tpu.memory_space<vmem>>) semaphore(%dma_start3A_14 : memref<!tpu.dma_semaphore, #tpu.memory_space<semaphore_mem>>)
    %scan3A = arith.constant 0 : i32
    %scan3A_15 = arith.constant 0 : i32
    %scan3A_16 = arith.constant 128 : i32
    %scan3A_17 = arith.addi %scan3A_15, %scan3A_16 : i32
    %scan3A_18 = arith.constant 1 : i32
    scf.for %scan3A_56 = %scan3A_15 to %scan3A_17 step %scan3A_18  : i32 {
      %rem3A_57 = arith.constant 3 : i32
      %rem3A_58 = arith.remsi %scan3A_56, %rem3A_57 : i32
      %add3A_59 = arith.constant 1 : i32
      %add3A_60 = arith.addi %scan3A_56, %add3A_59 : i32
      %rem3A_61 = arith.constant 3 : i32
      %rem3A_62 = arith.remsi %add3A_60, %rem3A_61 : i32
      %add3A_63 = arith.constant 1 : i32
      %add3A_64 = arith.addi %scan3A_56, %add3A_63 : i32
      %lt3A = arith.constant 128 : i32
      %lt3A_65 = arith.cmpi slt, %add3A_64, %lt3A : i32
      %convert_element_type3A = arith.extui %lt3A_65 : i1 to i32
      %cond3A = arith.constant 0 : i32
      %cond3A_66 = arith.cmpi ne, %convert_element_type3A, %cond3A : i32
      scf.if %cond3A_66 {
        %ge3A = arith.constant 2 : i32
        %ge3A_96 = arith.cmpi sge, %scan3A_56, %ge3A : i32
        %convert_element_type3A_97 = arith.extui %ge3A_96 : i1 to i32
        %cond3A_98 = arith.constant 0 : i32
        %cond3A_99 = arith.cmpi ne, %convert_element_type3A_97, %cond3A_98 : i32
        scf.if %cond3A_99 {
          %add3A_114 = arith.constant 1 : i32
          %add3A_115 = arith.addi %scan3A_56, %add3A_114 : i32
          %sub3A = arith.constant 3 : i32
          %sub3A_116 = arith.subi %add3A_115, %sub3A : i32
          %mul3A_117 = arith.constant 200 : i32
          %mul3A_118 = arith.muli %sub3A_116, %mul3A_117 : i32
          %add3A_119 = arith.addi %mul3A_2, %mul3A_118 : i32
          %dma_wait3A_120 = arith.constant 0 : i32
          %dma_wait3A_121 = arith.constant 0 : i32
          %dma_wait3A_122 = tpu.memref_slice %arg6[%rem3A_62, %dma_wait3A_120, %dma_wait3A_121] : memref<3x200x64xf32, #tpu.memory_space<vmem>> -> memref<1x200x64xf32, #tpu.memory_space<vmem>>
          %dma_wait3A_123 = tpu.memref_squeeze %dma_wait3A_122 : memref<1x200x64xf32, #tpu.memory_space<vmem>> -> memref<200x64xf32, #tpu.memory_space<vmem>>
          %dma_wait3A_124 = arith.constant 0 : i32
          %dma_wait3A_125 = tpu.memref_slice %arg4[%add3A_119, %dma_wait3A_124] : memref<819200x64xf32, #tpu.memory_space<hbm>> -> memref<200x64xf32, #tpu.memory_space<hbm>>
          %dma_wait3A_126 = tpu.memref_slice %arg8[%rem3A_62] : memref<3x!tpu.dma_semaphore, #tpu.memory_space<semaphore_mem>> -> memref<1x!tpu.dma_semaphore, #tpu.memory_space<semaphore_mem>>
          %dma_wait3A_127 = tpu.memref_squeeze %dma_wait3A_126 : memref<1x!tpu.dma_semaphore, #tpu.memory_space<semaphore_mem>> -> memref<!tpu.dma_semaphore, #tpu.memory_space<semaphore_mem>>
          %dma_wait3A_128 = arith.constant 0 : i32
          %dma_wait3A_129 = tpu.memref_slice %arg4[%add3A_119, %dma_wait3A_128] : memref<819200x64xf32, #tpu.memory_space<hbm>> -> memref<200x64xf32, #tpu.memory_space<hbm>>
          %dma_wait3A_130 = arith.constant 0 : i32
          %dma_wait3A_131 = arith.constant 0 : i32
          %dma_wait3A_132 = tpu.memref_slice %arg6[%rem3A_62, %dma_wait3A_130, %dma_wait3A_131] : memref<3x200x64xf32, #tpu.memory_space<vmem>> -> memref<1x200x64xf32, #tpu.memory_space<vmem>>
          %dma_wait3A_133 = tpu.memref_squeeze %dma_wait3A_132 : memref<1x200x64xf32, #tpu.memory_space<vmem>> -> memref<200x64xf32, #tpu.memory_space<vmem>>
          tpu.wait_dma2 semaphore(%dma_wait3A_127 : memref<!tpu.dma_semaphore, #tpu.memory_space<semaphore_mem>>) src(%dma_wait3A_133 : memref<200x64xf32, #tpu.memory_space<vmem>>) dst(%dma_wait3A_129 : memref<200x64xf32, #tpu.memory_space<hbm>>)
        } else {
        }
        %add3A_100 = arith.constant 1 : i32
        %add3A_101 = arith.addi %scan3A_56, %add3A_100 : i32
        %mul3A_102 = arith.constant 200 : i32
        %mul3A_103 = arith.muli %add3A_101, %mul3A_102 : i32
        %dma_start3A_104 = arith.constant 0 : i32
        %dma_start3A_105 = arith.constant 0 : i32
        %dma_start3A_106 = tpu.memref_slice %arg6[%rem3A_62, %dma_start3A_104, %dma_start3A_105] : memref<3x200x64xf32, #tpu.memory_space<vmem>> -> memref<1x200x64xf32, #tpu.memory_space<vmem>>
        %dma_start3A_107 = tpu.memref_squeeze %dma_start3A_106 : memref<1x200x64xf32, #tpu.memory_space<vmem>> -> memref<200x64xf32, #tpu.memory_space<vmem>>
        %dma_start3A_108 = tpu.memref_slice %arg5[%mul3A_103] : memref<25600xi32, #tpu.memory_space<vmem>> -> memref<200xi32, #tpu.memory_space<vmem>>
        %dma_start3A_109 = arith.constant 0 : i32
        %dma_start3A_110 = arith.constant 0 : i32
        %dma_start3A_111 = tpu.memref_slice %arg3[%dma_start3A_109, %dma_start3A_110] : memref<1000000x64xf32, #tpu.memory_space<hbm>> -> memref<1000000x64xf32, #tpu.memory_space<hbm>>
        %dma_start3A_112 = tpu.memref_slice %arg7[%rem3A_62] : memref<3x!tpu.dma_semaphore, #tpu.memory_space<semaphore_mem>> -> memref<1x!tpu.dma_semaphore, #tpu.memory_space<semaphore_mem>>
        %dma_start3A_113 = tpu.memref_squeeze %dma_start3A_112 : memref<1x!tpu.dma_semaphore, #tpu.memory_space<semaphore_mem>> -> memref<!tpu.dma_semaphore, #tpu.memory_space<semaphore_mem>>
        tpu.enqueue_indirect_dma source(%dma_start3A_111 : memref<1000000x64xf32, #tpu.memory_space<hbm>>) target(%dma_start3A_107 : memref<200x64xf32, #tpu.memory_space<vmem>>) offsets(%dma_start3A_108 : memref<200xi32, #tpu.memory_space<vmem>>) semaphore(%dma_start3A_113 : memref<!tpu.dma_semaphore, #tpu.memory_space<semaphore_mem>>)
      } else {
      }
      %mul3A_67 = arith.constant 200 : i32
      %mul3A_68 = arith.muli %scan3A_56, %mul3A_67 : i32
      %dma_wait3A_69 = arith.constant 0 : i32
      %dma_wait3A_70 = arith.constant 0 : i32
      %dma_wait3A_71 = tpu.memref_slice %arg6[%rem3A_58, %dma_wait3A_69, %dma_wait3A_70] : memref<3x200x64xf32, #tpu.memory_space<vmem>> -> memref<1x200x64xf32, #tpu.memory_space<vmem>>
      %dma_wait3A_72 = tpu.memref_squeeze %dma_wait3A_71 : memref<1x200x64xf32, #tpu.memory_space<vmem>> -> memref<200x64xf32, #tpu.memory_space<vmem>>
      %dma_wait3A_73 = tpu.memref_slice %arg5[%mul3A_68] : memref<25600xi32, #tpu.memory_space<vmem>> -> memref<200xi32, #tpu.memory_space<vmem>>
      %dma_wait3A_74 = arith.constant 0 : i32
      %dma_wait3A_75 = arith.constant 0 : i32
      %dma_wait3A_76 = tpu.memref_slice %arg3[%dma_wait3A_74, %dma_wait3A_75] : memref<1000000x64xf32, #tpu.memory_space<hbm>> -> memref<1000000x64xf32, #tpu.memory_space<hbm>>
      %dma_wait3A_77 = tpu.memref_slice %arg7[%rem3A_58] : memref<3x!tpu.dma_semaphore, #tpu.memory_space<semaphore_mem>> -> memref<1x!tpu.dma_semaphore, #tpu.memory_space<semaphore_mem>>
      %dma_wait3A_78 = tpu.memref_squeeze %dma_wait3A_77 : memref<1x!tpu.dma_semaphore, #tpu.memory_space<semaphore_mem>> -> memref<!tpu.dma_semaphore, #tpu.memory_space<semaphore_mem>>
      tpu.wait_indirect_dma semaphore(%dma_wait3A_78 : memref<!tpu.dma_semaphore, #tpu.memory_space<semaphore_mem>>) src(%dma_wait3A_76 : memref<1000000x64xf32, #tpu.memory_space<hbm>>) dst(%dma_wait3A_72 : memref<200x64xf32, #tpu.memory_space<vmem>>)
      %mul3A_79 = arith.constant 200 : i32
      %mul3A_80 = arith.muli %scan3A_56, %mul3A_79 : i32
      %add3A_81 = arith.addi %mul3A_2, %mul3A_80 : i32
      %dma_start3A_82 = arith.constant 0 : i32
      %dma_start3A_83 = arith.constant 0 : i32
      %dma_start3A_84 = tpu.memref_slice %arg6[%rem3A_58, %dma_start3A_82, %dma_start3A_83] : memref<3x200x64xf32, #tpu.memory_space<vmem>> -> memref<1x200x64xf32, #tpu.memory_space<vmem>>
      %dma_start3A_85 = tpu.memref_squeeze %dma_start3A_84 : memref<1x200x64xf32, #tpu.memory_space<vmem>> -> memref<200x64xf32, #tpu.memory_space<vmem>>
      %dma_start3A_86 = arith.constant 0 : i32
      %dma_start3A_87 = tpu.memref_slice %arg4[%add3A_81, %dma_start3A_86] : memref<819200x64xf32, #tpu.memory_space<hbm>> -> memref<200x64xf32, #tpu.memory_space<hbm>>
      %dma_start3A_88 = tpu.memref_slice %arg8[%rem3A_58] : memref<3x!tpu.dma_semaphore, #tpu.memory_space<semaphore_mem>> -> memref<1x!tpu.dma_semaphore, #tpu.memory_space<semaphore_mem>>
      %dma_start3A_89 = tpu.memref_squeeze %dma_start3A_88 : memref<1x!tpu.dma_semaphore, #tpu.memory_space<semaphore_mem>> -> memref<!tpu.dma_semaphore, #tpu.memory_space<semaphore_mem>>
      %dma_start3A_90 = arith.constant 0 : i32
      %dma_start3A_91 = tpu.memref_slice %arg4[%add3A_81, %dma_start3A_90] : memref<819200x64xf32, #tpu.memory_space<hbm>> -> memref<200x64xf32, #tpu.memory_space<hbm>>
      %dma_start3A_92 = arith.constant 0 : i32
      %dma_start3A_93 = arith.constant 0 : i32
      %dma_start3A_94 = tpu.memref_slice %arg6[%rem3A_58, %dma_start3A_92, %dma_start3A_93] : memref<3x200x64xf32, #tpu.memory_space<vmem>> -> memref<1x200x64xf32, #tpu.memory_space<vmem>>
      %dma_start3A_95 = tpu.memref_squeeze %dma_start3A_94 : memref<1x200x64xf32, #tpu.memory_space<vmem>> -> memref<200x64xf32, #tpu.memory_space<vmem>>
      tpu.enqueue_dma source(%dma_start3A_95 : memref<200x64xf32, #tpu.memory_space<vmem>>) target(%dma_start3A_91 : memref<200x64xf32, #tpu.memory_space<hbm>>) target_semaphore(%dma_start3A_89 : memref<!tpu.dma_semaphore, #tpu.memory_space<semaphore_mem>>)
    }
    %scan3A_19 = arith.constant 128 : i32
    %rem3A = arith.constant 126 : i32
    %rem3A_20 = arith.constant 3 : i32
    %rem3A_21 = arith.remsi %rem3A, %rem3A_20 : i32
    %add3A_22 = arith.constant 25200 : i32
    %add3A_23 = arith.addi %mul3A_2, %add3A_22 : i32
    %dma_wait3A = arith.constant 0 : i32
    %dma_wait3A_24 = arith.constant 0 : i32
    %dma_wait3A_25 = tpu.memref_slice %arg6[%rem3A_21, %dma_wait3A, %dma_wait3A_24] : memref<3x200x64xf32, #tpu.memory_space<vmem>> -> memref<1x200x64xf32, #tpu.memory_space<vmem>>
    %dma_wait3A_26 = tpu.memref_squeeze %dma_wait3A_25 : memref<1x200x64xf32, #tpu.memory_space<vmem>> -> memref<200x64xf32, #tpu.memory_space<vmem>>
    %dma_wait3A_27 = arith.constant 0 : i32
    %dma_wait3A_28 = tpu.memref_slice %arg4[%add3A_23, %dma_wait3A_27] : memref<819200x64xf32, #tpu.memory_space<hbm>> -> memref<200x64xf32, #tpu.memory_space<hbm>>
    %dma_wait3A_29 = tpu.memref_slice %arg8[%rem3A_21] : memref<3x!tpu.dma_semaphore, #tpu.memory_space<semaphore_mem>> -> memref<1x!tpu.dma_semaphore, #tpu.memory_space<semaphore_mem>>
    %dma_wait3A_30 = tpu.memref_squeeze %dma_wait3A_29 : memref<1x!tpu.dma_semaphore, #tpu.memory_space<semaphore_mem>> -> memref<!tpu.dma_semaphore, #tpu.memory_space<semaphore_mem>>
    %dma_wait3A_31 = arith.constant 0 : i32
    %dma_wait3A_32 = tpu.memref_slice %arg4[%add3A_23, %dma_wait3A_31] : memref<819200x64xf32, #tpu.memory_space<hbm>> -> memref<200x64xf32, #tpu.memory_space<hbm>>
    %dma_wait3A_33 = arith.constant 0 : i32
    %dma_wait3A_34 = arith.constant 0 : i32
    %dma_wait3A_35 = tpu.memref_slice %arg6[%rem3A_21, %dma_wait3A_33, %dma_wait3A_34] : memref<3x200x64xf32, #tpu.memory_space<vmem>> -> memref<1x200x64xf32, #tpu.memory_space<vmem>>
    %dma_wait3A_36 = tpu.memref_squeeze %dma_wait3A_35 : memref<1x200x64xf32, #tpu.memory_space<vmem>> -> memref<200x64xf32, #tpu.memory_space<vmem>>
    tpu.wait_dma2 semaphore(%dma_wait3A_30 : memref<!tpu.dma_semaphore, #tpu.memory_space<semaphore_mem>>) src(%dma_wait3A_36 : memref<200x64xf32, #tpu.memory_space<vmem>>) dst(%dma_wait3A_32 : memref<200x64xf32, #tpu.memory_space<hbm>>)
    %rem3A_37 = arith.constant 127 : i32
    %rem3A_38 = arith.constant 3 : i32
    %rem3A_39 = arith.remsi %rem3A_37, %rem3A_38 : i32
    %add3A_40 = arith.constant 25400 : i32
    %add3A_41 = arith.addi %mul3A_2, %add3A_40 : i32
    %dma_wait3A_42 = arith.constant 0 : i32
    %dma_wait3A_43 = arith.constant 0 : i32
    %dma_wait3A_44 = tpu.memref_slice %arg6[%rem3A_39, %dma_wait3A_42, %dma_wait3A_43] : memref<3x200x64xf32, #tpu.memory_space<vmem>> -> memref<1x200x64xf32, #tpu.memory_space<vmem>>
    %dma_wait3A_45 = tpu.memref_squeeze %dma_wait3A_44 : memref<1x200x64xf32, #tpu.memory_space<vmem>> -> memref<200x64xf32, #tpu.memory_space<vmem>>
    %dma_wait3A_46 = arith.constant 0 : i32
    %dma_wait3A_47 = tpu.memref_slice %arg4[%add3A_41, %dma_wait3A_46] : memref<819200x64xf32, #tpu.memory_space<hbm>> -> memref<200x64xf32, #tpu.memory_space<hbm>>
    %dma_wait3A_48 = tpu.memref_slice %arg8[%rem3A_39] : memref<3x!tpu.dma_semaphore, #tpu.memory_space<semaphore_mem>> -> memref<1x!tpu.dma_semaphore, #tpu.memory_space<semaphore_mem>>
    %dma_wait3A_49 = tpu.memref_squeeze %dma_wait3A_48 : memref<1x!tpu.dma_semaphore, #tpu.memory_space<semaphore_mem>> -> memref<!tpu.dma_semaphore, #tpu.memory_space<semaphore_mem>>
    %dma_wait3A_50 = arith.constant 0 : i32
    %dma_wait3A_51 = tpu.memref_slice %arg4[%add3A_41, %dma_wait3A_50] : memref<819200x64xf32, #tpu.memory_space<hbm>> -> memref<200x64xf32, #tpu.memory_space<hbm>>
    %dma_wait3A_52 = arith.constant 0 : i32
    %dma_wait3A_53 = arith.constant 0 : i32
    %dma_wait3A_54 = tpu.memref_slice %arg6[%rem3A_39, %dma_wait3A_52, %dma_wait3A_53] : memref<3x200x64xf32, #tpu.memory_space<vmem>> -> memref<1x200x64xf32, #tpu.memory_space<vmem>>
    %dma_wait3A_55 = tpu.memref_squeeze %dma_wait3A_54 : memref<1x200x64xf32, #tpu.memory_space<vmem>> -> memref<200x64xf32, #tpu.memory_space<vmem>>
    tpu.wait_dma2 semaphore(%dma_wait3A_49 : memref<!tpu.dma_semaphore, #tpu.memory_space<semaphore_mem>>) src(%dma_wait3A_55 : memref<200x64xf32, #tpu.memory_space<vmem>>) dst(%dma_wait3A_51 : memref<200x64xf32, #tpu.memory_space<hbm>>)
    return
  }
}

module attributes {stable_mosaic.version = 14 : i64} {
  func.func @_add_body(%arg0: i32, %arg1: memref<16x200x64xf32, #tpu.memory_space<vmem>>, %arg2: memref<200x64xf32, #tpu.memory_space<vmem>>, %arg3: memref<16x200x64xf32, #tpu.memory_space<vmem>>) attributes {dimension_semantics = [#tpu.dimension_semantics<arbitrary>], iteration_bounds = array<i64: 256>, scalar_prefetch = 0 : i64, scratch_operands = 0 : i64, tpu.core_type = #tpu.core_type<tc>, window_params = [{transform_indices = @transform_0, window_bounds = array<i64: 16, 200, 64>}, {pipeline_mode = #tpu.pipeline_mode<synchronous>, transform_indices = @transform_1, window_bounds = array<i64: 200, 64>}, {transform_indices = @transform_2, window_bounds = array<i64: 16, 200, 64>}]} {
    %get3A = arith.constant 0 : index
    %get3A_0 = arith.constant 0 : index
    %get3A_1 = arith.constant 0 : index
    %get3A_2 = vector.load %arg1[%get3A, %get3A_0, %get3A_1] : memref<16x200x64xf32, #tpu.memory_space<vmem>>, vector<16x200x64xf32>
    %get3A_3 = arith.constant 0 : index
    %get3A_4 = arith.constant 0 : index
    %get3A_5 = vector.load %arg2[%get3A_3, %get3A_4] : memref<200x64xf32, #tpu.memory_space<vmem>>, vector<200x64xf32>
    %broadcast_in_dim3A = vector.shape_cast %get3A_5 : vector<200x64xf32> to vector<1x200x64xf32>
    %add3A = vector.broadcast %broadcast_in_dim3A : vector<1x200x64xf32> to vector<16x200x64xf32>
    %add3A_6 = arith.addf %get3A_2, %add3A : vector<16x200x64xf32>
    %swap3A = arith.constant 0 : index
    %swap3A_7 = arith.constant 0 : index
    %swap3A_8 = arith.constant 0 : index
    %swap3A_9 = vector.load %arg3[%swap3A, %swap3A_7, %swap3A_8] : memref<16x200x64xf32, #tpu.memory_space<vmem>>, vector<16x200x64xf32>
    tpu.vector_store %arg3[%swap3A, %swap3A_7, %swap3A_8], %add3A_6 {strides = array<i32>} : memref<16x200x64xf32, #tpu.memory_space<vmem>>, vector<16x200x64xf32>,
    return
  }
  func.func @transform_0(%arg0: i32) -> (i32, i32, i32) {
    %c0_i32 = arith.constant 0 : i32
    %c0_i32_0 = arith.constant 0 : i32
    %c0_i32_1 = arith.constant 0 : i32
    return %arg0, %c0_i32, %c0_i32_0 : i32, i32, i32
  }
  func.func @transform_1(%arg0: i32) -> (i32, i32) {
    %c0_i32 = arith.constant 0 : i32
    %c0_i32_0 = arith.constant 0 : i32
    %c0_i32_1 = arith.constant 0 : i32
    return %c0_i32, %c0_i32_0 : i32, i32
  }
  func.func @transform_2(%arg0: i32) -> (i32, i32, i32) {
    %c0_i32 = arith.constant 0 : i32
    %c0_i32_0 = arith.constant 0 : i32
    %c0_i32_1 = arith.constant 0 : i32
    return %arg0, %c0_i32, %c0_i32_0 : i32, i32, i32
  }
}

</mosaic_0001>

<sc_bundles>
// kernel: kernel.4.cloned.1.call-start
scs
__scs_entry_jumppad:
0x0: {  	(pc) =	sbr.rel $0x88, $3  }
0x1: {  	(tag) =	ssettag $0x0;
	lr =	simm.s32 $0x1  }
0x2: {  	[smem:$0x3F9F] =	sst lr;
	_ =	strace $0xD0000000  }
0x3: {  	_ = 	snop  }
0x4: {  	_ = 	snop  }
0x5: {  	_ = 	snop  }
0x6: {  	_ = 	snop  }
0x7: {  	_ = 	snop  }
__scs_overlays_trampoline_lowered:
0x8: {  	[smem:$0x3FAE] =	sst s0  }
0x9: {  	[smem:$0x3FAF] =	sst s1  }
0xa: {  	[smem:$0x3FB0] =	sst s2  }
0xb: {  	[smem:$0x3FB1] =	sst s3  }
0xc: {  	[smem:$0x3FB2] =	sst s4  }
0xd: {  	[smem:$0x3FB3] =	sst s5  }
0xe: {  	[smem:$0x3FB4] =	sst s6  }
0xf: {  	[smem:$0x3FB5] =	sst s7  }
0x10: {  	[smem:$0x3FB6] =	sst s8  }
0x11: {  	[smem:$0x3FB7] =	sst s9;
	s0 =	simm.s32 @!p0 $0x0  }
0x12: {  	s1 =	sld [smem:$0x3F9D];
	s0 =	simm.s32 @p0 $0x1  }
0x13: {  	[smem:$0x3FB8] =	sst s0;
	s0 =	simm.s32 @!p1 $0x0  }
0x14: {  	s2 =	sld [smem:$0x3F9C];
	s0 =	simm.s32 @p1 $0x1  }
0x15: {  	[smem:$0x3FB9] =	sst s0;
	s0 =	simm.s32 @!p2 $0x0  }
0x16: {  	s3 =	sld [smem:$0x3FDB];
	s0 =	simm.s32 @p2 $0x1  }
0x17: {  	s4 =	simm.s32 $0x1BF5;
	[smem:$0x3FBB] =	sst s0  }
0x18: {  	s0 =	sld [smem:$0x3F9E];
	_ =	swait.ge [sflag:s4], $0x0  }
0x19: {  	s7 =	sld [smem:$0x3F9F]  }
0x1a: {  	s8 =	sadd.s32 $0xFFFFE003, lr  }
0x1b: {  	s9 =	sadd.s32 $0xFFFFFEF7, lr;
	s5 =	simm.s32 $0xFFFFFFFF;
	p2 =	slt.u32 s8, $0xFFFFF086  }
0x1c: {  	p1 =	slt.u32 s9, $0xF7A;
	s5 =	simm.s32 @!p2 $0x0  }
0x1d: {  	s5 =	simm.s32 @p1 $0x1;
	p0 =	seq.s32 s7, s2  }
0x1e: {  	s7 =	smul.u32 @!p0 $0xF7A, s2;
	p2 =	seq.s32 @!p0 s5, $0x0  }
0x1f: {  	s9 =	smul.u32 $0xF7A, s1;
	s8 =	simm.s32 @!p0 $0x1BF5;
	p2 =	por !p2, p0  }
0x20: {  	[sflag:s8] =	ssyncset.s32 @!p0 $0xFFFFF086;
	s6 =	sadd.s32 @!p0 s3, s7;
	s7 =	simm.s32 @!p0 $0x108  }
0x21: {  	s3 =	sadd.s32 s3, s9;
	s6 =	sadd.s32 @!p0 $0x88, s6;
	s7 =	simm.s32 @p2 $0x1082  }
0x22: {  	[simem:s7], [sflag:s8] =	dma.local @!p0 [hbm:s6], $0xF7A  }
0x23: {  	s9 =	sor.u32 $0xD0000000, s2;
	s6 =	simm.s32 $0x108;
	_ =	swait.ge @!p0 [sflag:s8], $0x0  }
0x24: {  	s3 =	sadd.s32 $0x88, s3;
	s6 =	simm.s32 @!p1 $0x1082;
	[sflag:s4] =	ssyncset.s32 $0xFFFFF086  }
0x25: {  	[simem:s6], [sflag:s4] =	dma.local [hbm:s3], $0xF7A  }
0x26: {  	[smem:$0x3F9F] =	sst s1;
	(tag) =	ssettag s2;
	_ =	strace s9  }
0x27: {  	s1 =	sld [smem:$0x3FAF]  }
0x28: {  	s2 =	sld [smem:$0x3FB0]  }
0x29: {  	s4 =	sld [smem:$0x3FB2]  }
0x2a: {  	p0 =	seq.s32 s5, $0x0;
	s5 =	sld [smem:$0x3FB3]  }
0x2b: {  	s6 =	sld [smem:$0x3FB4]  }
0x2c: {  	s7 =	sld [smem:$0x3FB5]  }
0x2d: {  	s3 =	simm.s32 $0x108;
	s8 =	sld [smem:$0x3FB6]  }
0x2e: {  	s3 =	simm.s32 @!p0 $0x1082;
	s9 =	sld [smem:$0x3FB7]  }
0x2f: {  	lr =	sadd.s32 s0, s3;
	s0 =	sld [smem:$0x3FAE]  }
0x30: {  	s3 =	sld [smem:$0x3FB1]  }
0x31: {  	[smem:$0x3FBA] =	sst s10  }
0x32: {  	s10 =	sld [smem:$0x3FB8];
	_ =	sdelay $0x3  }
0x33: {  	p0 =	seq.s32 s10, $0x1;
	s10 =	sld [smem:$0x3FBA];
	_ =	sdelay $0x3  }
0x34: {  	[smem:$0x3FBA] =	sst s10  }
0x35: {  	s10 =	sld [smem:$0x3FB9];
	_ =	sdelay $0x3  }
0x36: {  	p1 =	seq.s32 s10, $0x1;
	s10 =	sld [smem:$0x3FBA];
	_ =	sdelay $0x3  }
0x37: {  	[smem:$0x3FBA] =	sst s10  }
0x38: {  	s10 =	sld [smem:$0x3FBB]  }
0x39: {  	_ = 	snop;
	(pc) =	sbr.ind lr, $3  }
0x3a: {  	_ = 	snop  }
0x3b: {  	_ = 	snop  }
0x3c: {  	p2 =	seq.s32 s10, $0x1;
	s10 =	sld [smem:$0x3FBA]  }
0x3d: {  	_ =	shalt  }
0x3e: {  	_ =	shalt  }
0x3f: {  	_ =	shalt  }
0x40: {  	_ =	shalt  }
0x41: {  	_ =	shalt  }
0x42: {  	_ =	shalt  }
0x43: {  	_ =	shalt  }
0x44: {  	_ =	shalt  }
0x45: {  	_ =	shalt  }
0x46: {  	_ =	shalt  }
0x47: {  	_ =	shalt  }
0x48: {  	_ =	shalt  }
0x49: {  	_ =	shalt  }
0x4a: {  	_ =	shalt  }
0x4b: {  	_ =	shalt  }
0x4c: {  	_ =	shalt  }
0x4d: {  	_ =	shalt  }
0x4e: {  	_ =	shalt  }
0x4f: {  	_ =	shalt  }
0x50: {  	_ =	shalt  }
0x51: {  	_ =	shalt  }
0x52: {  	_ =	shalt  }
0x53: {  	_ =	shalt  }
0x54: {  	_ =	shalt  }
0x55: {  	_ =	shalt  }
0x56: {  	_ =	shalt  }
0x57: {  	_ =	shalt  }
0x58: {  	_ =	shalt  }
0x59: {  	_ =	shalt  }
0x5a: {  	_ =	shalt  }
0x5b: {  	_ =	shalt  }
0x5c: {  	_ =	shalt  }
0x5d: {  	_ =	shalt  }
0x5e: {  	_ =	shalt  }
0x5f: {  	_ =	shalt  }
0x60: {  	_ =	shalt  }
0x61: {  	_ =	shalt  }
0x62: {  	_ =	shalt  }
0x63: {  	_ =	shalt  }
0x64: {  	_ =	shalt  }
0x65: {  	_ =	shalt  }
0x66: {  	_ =	shalt  }
0x67: {  	_ =	shalt  }
0x68: {  	_ =	shalt  }
0x69: {  	_ =	shalt  }
0x6a: {  	_ =	shalt  }
0x6b: {  	_ =	shalt  }
0x6c: {  	_ =	shalt  }
0x6d: {  	_ =	shalt  }
0x6e: {  	_ =	shalt  }
0x6f: {  	_ =	shalt  }
0x70: {  	_ =	shalt  }
0x71: {  	_ =	shalt  }
0x72: {  	_ =	shalt  }
0x73: {  	_ =	shalt  }
0x74: {  	_ =	shalt  }
0x75: {  	_ =	shalt  }
0x76: {  	_ =	shalt  }
0x77: {  	_ =	shalt  }
0x78: {  	_ =	shalt  }
0x79: {  	_ =	shalt  }
0x7a: {  	_ =	shalt  }
0x7b: {  	_ =	shalt  }
0x7c: {  	_ =	shalt  }
0x7d: {  	_ =	shalt  }
0x7e: {  	_ =	shalt  }
0x7f: {  	_ =	shalt  }
0x80: {  	_ =	shalt  }
0x81: {  	_ =	shalt  }
0x82: {  	_ =	shalt  }
0x83: {  	_ =	shalt  }
0x84: {  	_ =	shalt  }
0x85: {  	_ =	shalt  }
0x86: {  	_ =	shalt  }
0x87: {  	_ =	shalt  }
.Lfunc_end0:
.L_simem_size_0:
called_computation_lowered:
.L_overlay_start_0:
0x88: {  	s2 =	sld [smem:$0x3FD9]  }
0x89: {  	s3 =	sld [smem:$0x3FFE];
	_ =	sdelay $0x1  }
0x8a: {  	s1 =	srdreg.scid  }
0x8b: {  	s0 =	sand.u32 $0x1, s1  }
0x8c: {  	s17 =	sshll.u32 s0, $0xA;
	s2 =	sadd.s32 s3, s2  }
0x8d: {  	s2 =	sadd.s32 s2, s17  }
0x8e: {  	[smem:$0x3FC6] =	sst s2  }
0x8f: {  	_ = 	snop  }
0x90: {  	s2 =	sld [smem:$0x3FD0];
	(tm) =	ssettm $0x1  }
0x91: {  	s18 =	sld [smem:$0x3FFB];
	_ =	sdelay $0x3  }
0x92: {  	_ =	strace s18  }
0x93: {  	s3 =	sld [smem:$0x3FFC];
	_ =	sdelay $0x3  }
0x94: {  	_ =	strace s3  }
0x95: {  	s3 =	sld [smem:$0x3FFD];
	_ =	sdelay $0x3  }
0x96: {  	_ =	strace s3  }
0x97: {  	_ =	strace $0x8FFFFFFF  }
0x98: {  	s19 =	sld [smem:$0x3FDB];
	_ =	sdelay $0x1  }
0x99: {  	s4 =	simm.s32 $_scs_section_size  }
0x9a: {  	s5 =	simm.s32 $_size__tile_overlayer_lowered;
	s6 =	simm.s32 $_tile_overlayer_lowered  }
0x9b: {  	s22 =	simm.s32 $0x1BFF;
	s21 =	sshll.u32 s6, $0x1;
	s3 =	sadd.s32 s4, s19  }
0x9c: {  	s7 =	simm.s32 $0x0;
	s20 =	sshll.u32 s5, $0x1;
	s5 =	sadd.s32 s21, s3  }
0x9d: {  	[timem:s7], [sflag:s22] =	dma.local [hbm:s5], s20  }
0x9e: {  	_ =	swait.ge [sflag:s22], s20  }
0x9f: {  	s4 =	ssub.s32 $0x0, s20;
	[sflag:s22] =	ssyncset.done $0x0  }
0xa0: {  	[sflag:s22] =	ssyncadd.s32 s4;
	_ =	sdelay $0x1  }
0xa1: {  	s23 =	simm.s32 $0x1B8B  }
0xa2: {  	_ =	swait.ge [sflag:s23], $0x1  }
0xa3: {  	[sflag:s23] =	ssyncset.done $0x0  }
0xa4: {  	s25 =	simm.s32 $0x1B8E;
	s24 =	sld [smem:$0x3FFE];
	[sflag:s23] =	ssyncadd.s32 $0xFFFFFFFF  }
0xa5: {  	s26 =	simm.s32 $execute0_lowered;
	[smem:$0x3FD2] =	sst s25  }
0xa6: {  	s5 =	sshll.u32 s26, $0x1;
	_ =	strace $0x80000046;
	[dreg:$0x1] =	wrdreg $0xFFFFFFFF  }
0xa7: {  	s28 =	simm.s32 $_size_execute0_lowered;
	s3 =	sadd.s32 s3, s5;
	[dreg:$0x0] =	wrdreg $0x0  }
0xa8: {  	s5 =	sshll.u32 s28, $0x1;
	[dreg:$0x2] =	wrdreg s3  }
0xa9: {  	[dreg:$0x3] =	wrdreg s5  }
0xaa: {  	[dreg:$0x4] =	wrdreg $0xC0  }
0xab: {  	_ =	task [dreg:s7], $0x5FFFF  }
0xac: {  	[dreg:$0x1] =	wrdreg $0xFFFFFFFF  }
0xad: {  	[dreg:$0x0] =	wrdreg $0x60  }
0xae: {  	[dreg:$0x2] =	wrdreg s24  }
0xaf: {  	[dreg:$0x3] =	wrdreg s2  }
0xb0: {  	[dreg:$0x4] =	wrdreg $0x9  }
0xb1: {  	_ =	task.clear_ibuf [dreg:s7], $0x5FFFF;
	_ =	strace $0x90000046  }
0xb2: {  	s29 =	simm.s32 $0x9;
	_ =	strace $0x80000048  }
0xb3: {  	_ =	swait.ge [sflag:s29], $0x1  }
0xb4: {  	[sflag:s29] =	ssyncadd.s32 $0xFFFFFFFF  }
0xb5: {  	_ =	strace $0x90000048  }
0xb6: {  	_ =	sfence  }
0xb7: {  	s30 =	sld [smem:$0x0];
	_ =	sdelay $0x2  }
0xb8: {  	s31 =	sshll.u32 s1, $0xD;
	s1 =	sshrl.u32 s1, $0x2  }
0xb9: {  	s3 =	sand.u32 $0x4000, s31;
	s1 =	sadd.s32 s1, s30  }
0xba: {  	s0 =	sor.u32 s3, s0;
	s1 =	sshll.u32 s1, $0x11  }
0xbb: {  	s0 =	sor.u32 s1, s0  }
0xbc: {  	s0 =	sadd.s32 $0x8F2B, s0  }
0xbd: {  	[sflag:s0] =	ssyncadd.remote.s32 $0x1  }
0xbe: {  	_ =	sfence.sel $0xFFFF  }
0xbf: {  	[dreg:$0x0] =	wrdreg $0xFFFFFFFF;
	(pc) =	sbr.abs _section_cstart, $3  }
0xc0: {  	[dreg:$0x1] =	wrdreg $0xFFFFFFFF  }
0xc1: {  	_ =	task.clear_ibuf [dreg:s7], $0x2FFFF;
	_ =	strace $0x9FFFFFFF  }
0xc2: {  	(tm) =	ssettm $0x7FFFFFFF  }
0xc3: {  	_ =	shalt  }
tec
execute0_lowered:
.L_overlay_start_1:
0x0: {  	(tag) =	ssettag $0x1  }
0x1: {  	s4 =	rddreg [dreg:$0x0]  }
0x2: {  	s6 =	rddreg [dreg:$0x1]  }
0x3: {  	s0 =	rddreg [dreg:$0x2];
	s3 =	srdreg.scid  }
0x4: {  	s1 =	stileid.u32;
	s2 =	simm.s32 $0x0;
	s11 =	simm.s32 $0x0  }
0x5: {  	s5 =	sand.u32 $0x1, s3;
	s30 =	sshll.u32 s1, $0x1;
	s10 =	smul.u32 $0x64000, s1  }
0x6: {  	[smem:$0x7FF] =	sst s2;
	s3 =	sor.u32 s5, s30;
	s31 =	smul.u32 $0x32000, s5  }
0x7: {  	_ =	strace $0x80000047;
	s7 =	ssub.s32 $0x2, s5;
	s8 =	smul.u32 $0x6400, s3  }
0x8: {  	s3 =	sadd.s32 $0xF5B400, s4;
	s9 =	sshrl.u32 s7, $0x1;
	s6 =	sadd.s32 s10, s6  }
0x9: {  	s10 =	simm.s32 $0x5;
	s7 =	ssub.s32 s7, s9;
	s6 =	sadd.s32 s31, s6  }
0xa: {  	s9 =	simm.s32 $0x4;
	s8 =	sshrl.u32 s8, $0x3;
	s5 =	smax.u32 s7, $0x1  }
0xb: {  	s7 =	simm.s32 $0x7;
	s4 =	sadd.s32 s4, s8;
	s8 =	simm.s32 $0x6400  }
.LBB2_1:
0xc: {  	s13 =	smul.u32 $0xAB, s2  }
0xd: {  	[tilespmem:s2], [sflag:$0x7] =	stream.linear.gather [hbm4b:s4+s2], $0x6400, $0x38;
	[tilespmem:$0xFA00] =	vst v63  }
0xe: {  	s12 =	simm.s32 $0xC8;
	p0 =	por $0x0, $0x0;
	s14 =	sadd.s32 $0xAB, s13  }
0xf: {  	s18 =	simm.s32 $0x2;
	_ =	swait.ge [sflag:s7], $0x6400;
	s14 =	sshrl.u32 s14, $0x9  }
0x10: {  	[sflag:s7] =	ssyncset.done $0x0;
	s13 =	sshrl.u32 s13, $0x9;
	s14 =	sand.u32 $0x7F, s14  }
0x11: {  	[sflag:s7] =	ssyncadd.s32 $0xFFFF9C00;
	s13 =	sand.u32 $0x7F, s13;
	s14 =	smul.u32 $0x3, s14  }
0x12: {  	[tilespmem:s8], [sflag:$0x1] =	stream.indirect.gather [hbm4b:s3+s12], $0x40, s2, s12, $0xb8;
	[tilespmem:$0xFA00] =	vst v63  }
0x13: {  	p1 =	por @!p0 $0x1, $0x1;
	s13 =	smul.u32 $0x3, s13;
	s14 =	ssub.s32 $0x1, s14  }
0x14: {  	s17 =	simm.s32 @!p0 $0xC8;
	p1 =	por p1, p0;
	s14 =	sand.u32 $0xFF, s14  }
0x15: {  	s31 =	ssub.s32 $0x0, s13;
	s15 =	sadd.s32 @!p1 $0x4, s14;
	s16 =	smul.u32 @!p0 $0xC800, s14  }
0x16: {  	s13 =	simm.s32 $0x1;
	s19 =	sand.u32 $0xFF, s31;
	_ =	swait.ge @!p1 [sflag:s15], $0x3200  }
0x17: {  	s21 =	smul.u32 $0xC800, s19;
	[sflag:s15] =	ssyncset.done @!p1 $0x0;
	s16 =	sshrl.u32 @!p0 s16, $0x2  }
0x18: {  	s14 =	sadd.s32 @!p0 $0x1, s14;
	[sflag:s15] =	ssyncadd.s32 @!p1 $0xFFFFCE00;
	s15 =	sadd.s32 @!p0 $0x6400, s16  }
0x19: {  	[tilespmem:s15], [sflag:s14] =	stream.indirect.gather @!p0 [hbm4b:s3+s17], $0x40, s12, s17, $0xb8;
	[tilespmem:$0xFA00] =	vst v63  }
0x1a: {  	s20 =	sadd.s32 $0x1, s19;
	s16 =	simm.s32 $0x2;
	s17 =	smul.u32 $0xAB, s13  }
0x1b: {  	s14 =	simm.s32 $0x190;
	s12 =	sadd.s32 $0x640, s6;
	s15 =	smov.u32 s6  }
.LBB2_2:
0x1c: {  	s22 =	sadd.s32 $0xAB, s17;
	p0 =	seq.s32 s13, $0x7F;
	s23 =	smov.u32 s16  }
0x1d: {  	s16 =	sadd.s32 $0x1, s16;
	s24 =	smov.u32 s15;
	s15 =	smov.u32 s12  }
0x1e: {  	s22 =	sshrl.u32 s22, $0x9;
	_ =	swait.ge [sflag:s20], $0x3200;
	s21 =	sshrl.u32 s21, $0x2  }
0x1f: {  	s22 =	sand.u32 $0x7F, s22;
	[sflag:s20] =	ssyncset.done $0x0;
	s21 =	sadd.s32 $0x6400, s21  }
0x20: {  	s19 =	sadd.s32 $0x4, s19;
	s22 =	smul.u32 $0x3, s22;
	[sflag:s20] =	ssyncadd.s32 $0xFFFFCE00  }
0x21: {  	[hbm4b:s24+s2] =	stream.linear.scatter [tilespmem:s21], [sflag:s19], $0x3200, $0x38;
	[tilespmem:$0xFA00] =	vst v63  }
0x22: {  	s17 =	sshrl.u32 s17, $0x9;
	p1 =	slt.u32 @!p0 s13, $0x2;
	s18 =	ssub.s32 s18, s22  }
0x23: {  	s17 =	sand.u32 $0x7F, s17;
	p2 =	por p1, p0;
	s18 =	sand.u32 $0xFF, s18  }
0x24: {  	p1 =	sne.s32 s16, $0x80;
	s19 =	sadd.s32 @!p2 $0x4, s18;
	s20 =	smul.u32 @!p0 $0xC800, s18  }
0x25: {  	s17 =	smul.u32 $0x3, s17;
	s21 =	simm.s32 @!p0 $0xC8;
	_ =	swait.ge @!p2 [sflag:s19], $0x3200  }
0x26: {  	s18 =	sadd.s32 @!p0 $0x1, s18;
	[sflag:s19] =	ssyncset.done @!p2 $0x0;
	s20 =	sshrl.u32 @!p0 s20, $0x2  }
.Ltmp0:
0x27: {  	[sflag:s19] =	ssyncadd.s32 @!p2 $0xFFFFCE00;
	s19 =	sadd.s32 @!p0 $0x6400, s20;
	(pc) =	sbr.rel @p1 .LBB2_2-.Ltmp0, $4  }
0x28: {  	[tilespmem:s19], [sflag:s18] =	stream.indirect.gather @!p0 [hbm4b:s3+s21], $0x40, s14, s21, $0xb8;
	[tilespmem:$0xFA00] =	vst v63  }
0x29: {  	s19 =	ssub.s32 s13, s17;
	s18 =	smov.u32 s16;
	s13 =	smov.u32 s23  }
0x2a: {  	s14 =	sadd.s32 $0xC8, s14;
	s17 =	smul.u32 $0xAB, s13;
	s19 =	sand.u32 $0xFF, s19  }
0x2b: {  	s12 =	sadd.s32 $0x640, s12;
	s20 =	sadd.s32 $0x1, s19;
	s21 =	smul.u32 $0xC800, s19  }
0x2c: {  	s16 =	sadd.s32 $0xAB, s17;
	p0 =	seq.s32 s13, $0x7F  }
0x2d: {  	_ =	swait.ge [sflag:s20], $0x3200;
	s19 =	sadd.s32 $0x4, s19;
	s16 =	sshrl.u32 s16, $0x9  }
0x2e: {  	s21 =	sshrl.u32 s21, $0x2;
	[sflag:s20] =	ssyncset.done $0x0;
	s16 =	sand.u32 $0x7F, s16  }
0x2f: {  	s21 =	sadd.s32 $0x6400, s21;
	[sflag:s20] =	ssyncadd.s32 $0xFFFFCE00;
	s16 =	smul.u32 $0x3, s16  }
0x30: {  	[hbm4b:s15+s2] =	stream.linear.scatter [tilespmem:s21], [sflag:s19], $0x3200, $0x38;
	[tilespmem:$0xFA00] =	vst v63  }
0x31: {  	s28 =	sshrl.u32 s17, $0x9;
	p1 =	slt.u32 @!p0 s13, $0x2;
	s26 =	ssub.s32 s18, s16  }
0x32: {  	p1 =	por p1, p0;
	s16 =	sand.u32 $0x7F, s28;
	s15 =	sand.u32 $0xFF, s26  }
0x33: {  	s16 =	smul.u32 $0x3, s16;
	s17 =	sadd.s32 @!p1 $0x4, s15  }
0x34: {  	s19 =	simm.s32 @!p0 $0xC8;
	s18 =	smul.u32 @!p0 $0xC800, s15;
	_ =	swait.ge @!p1 [sflag:s17], $0x3200  }
0x35: {  	s15 =	sadd.s32 @!p0 $0x1, s15;
	s29 =	ssub.s32 s13, s16;
	[sflag:s17] =	ssyncset.done @!p1 $0x0  }
0x36: {  	s18 =	sshrl.u32 @!p0 s18, $0x2;
	s13 =	sand.u32 $0xFF, s29;
	[sflag:s17] =	ssyncadd.s32 @!p1 $0xFFFFCE00  }
0x37: {  	s17 =	sadd.s32 @!p0 $0x6400, s18;
	s30 =	sadd.s32 $0x1, s13;
	s31 =	smul.u32 $0xC800, s13  }
0x38: {  	[tilespmem:s17], [sflag:s15] =	stream.indirect.gather @!p0 [hbm4b:s3+s19], $0x40, s14, s19, $0xb8;
	[tilespmem:$0xFA00] =	vst v63  }
0x39: {  	_ =	swait.ge [sflag:s30], $0x3200  }
0x3a: {  	s11 =	sadd.s32 $0x1, s11;
	s15 =	sshrl.u32 s31, $0x2;
	[sflag:s30] =	ssyncset.done $0x0  }
0x3b: {  	s13 =	sadd.s32 $0x4, s13;
	s15 =	sadd.s32 $0x6400, s15;
	[sflag:s30] =	ssyncadd.s32 $0xFFFFCE00  }
0x3c: {  	[hbm4b:s12+s2] =	stream.linear.scatter [tilespmem:s15], [sflag:s13], $0x3200, $0x38;
	[tilespmem:$0xFA00] =	vst v63  }
0x3d: {  	p0 =	sne.s32 s11, s5;
	_ =	swait.ge [sflag:s9], $0x3200  }
.Ltmp1:
0x3e: {  	[sflag:s9] =	ssyncset.done $0x0;
	(pc) =	sbr.rel @p0 .LBB2_1-.Ltmp1, $4  }
0x3f: {  	[sflag:s9] =	ssyncadd.s32 $0xFFFFCE00  }
0x40: {  	_ =	swait.ge [sflag:s10], $0x3200  }
0x41: {  	[sflag:s10] =	ssyncset.done $0x0  }
0x42: {  	[sflag:s10] =	ssyncadd.s32 $0xFFFFCE00  }
0x43: {  	_ =	sfence.sel $0x180000  }
0x44: {  	[bflag:$0x0] =	sbarrier.arrive $0xFFFF  }
0x45: {  	p0 =	sne.s32 s1, $0x0;
	_ =	strace $0x90000047  }
0x46: {  	s0 =	sadd.s32 @!p0 $0x100000, s0;
	[bflag:$0x2] =	sbarrier.arrive $0xFFFF  }
0x47: {  	[sflag:s0] =	ssyncadd.tile.s32 @!p0 $0x1;
	_ =	shalt  }
.Lfunc_end2:
_tile_overlayer_lowered:
.L_overlay_start_2:
0x48: {  	(tag) =	ssettag $0x2  }
0x49: {  	s0 =	rddreg [dreg:$0x0];
	s2 =	stileid.u32  }
0x4a: {  	s1 =	rddreg [dreg:$0x1];
	p0 =	sne.s32 s2, $0x0  }
0x4b: {  	s3 =	rddreg [dreg:$0x2];
	[bflag:$0x3] =	sbarrier.arrive $0xFFFF;
	s2 =	simm.s32 @!p0 $0x1C07  }
0x4c: {  	[timem:s3], [sflag:s2] =	dma.local @!p0 [hbm:s0], s1  }
0x4d: {  	s0 =	simm.s32 @!p0 $0x7  }
0x4e: {  	_ =	swait.ge @!p0 [sflag:s0], s1  }
0x4f: {  	s1 =	ssub.s32 @!p0 $0x0, s1;
	[sflag:s0] =	ssyncset.done @!p0 $0x0  }
0x50: {  	[sflag:s0] =	ssyncadd.s32 @!p0 s1  }
0x51: {  	[bflag:$0x3] =	sbarrier.arrive $0xFFFF  }
0x52: {  	_ =	shalt  }

</sc_bundles>
